<compile_context>
chip_gen: v7x
topology: tpu7x:2x2x1
jax: 0.10.2.dev20260603
libtpu: 0.0.44.dev20260713+nightly
codegen_flags: <defaults>
</compile_context>

<pallas_src>
import functools

import jax
import jax.numpy as jnp
from jax import lax
from jax.experimental import pallas as pl
from jax.experimental.pallas import tpu as pltpu
from jax.experimental.pallas import tpu_sc as plsc

_mesh = plsc.VectorSubcoreMesh(
    core_axis_name="c", subcore_axis_name="s", num_cores=1, num_subcores=1
)


def _shuffle(v, idx):
    return v.at[idx].get(mode="promise_in_bounds")


@functools.partial(
    pl.kernel,
    mesh=_mesh,
    out_type=jax.ShapeDtypeStruct((16,), jnp.float32),
    scratch_types=[
        pltpu.VMEM((16,), jnp.float32),
        pltpu.VMEM((16,), jnp.float32),
    ],
)
def _sc_maxdiff(src_hbm, out_hbm, src_v, out_v):
    src_v[...] = jnp.zeros((16,), jnp.float32)
    pltpu.sync_copy(src_hbm, src_v.at[pl.ds(0, 10)])
    x0 = src_v[...]
    pos = lax.broadcasted_iota(jnp.int32, (16,), 0)
    repack = jnp.where(
        pos < 5, pos, jnp.where(pos < 8, pos + 5, jnp.where(pos < 13, pos - 3, pos))
    )
    x = _shuffle(x0, repack)
    for s in (4, 2, 1):
        x = x + _shuffle(x, pos ^ s)
    y = _shuffle(x, jnp.where(pos == 7, 8, pos))
    base = jnp.where(pos < 15, 1.0, 0.0)
    add = jnp.where((pos == 1) | (pos == 7), y, 0.0)
    cpu = base + add
    gpu = base + add
    m = jnp.abs(cpu - gpu)
    for s in (8, 4, 2, 1):
        m = jnp.maximum(m, _shuffle(m, pos ^ s))
    out_v[...] = m
    pltpu.sync_copy(out_v, out_hbm)


def kernel(src):
    out = _sc_maxdiff(src.reshape(10))
    return out[0] > 1e-06

# --- scband reference (transcript-rebuilt; emitter-appended) ---
"""Pipeline reference for scband-my-model-61933428409750 (READ-ONLY COPY).

The authoritative reference and input builder live on the scoring server;
editing this copy changes nothing except your own understanding.
"""

import jax, jax.numpy as jnp
import numpy as np


def setup_inputs(seed: int = 0) -> dict:
    key = jax.random.key(seed)
    src = jax.random.normal(key, (2, 5), dtype=jnp.float32)
    return {"src": src}


def _scatter_add_dim1(base, indices, src):
    # torch scatter_add_ along dim=1: base[i, indices[i, j]] += src[i, j]
    # indices has shape [2, 5]; only the first 2 rows of base are touched.
    n_rows, n_cols = indices.shape
    row_idx = jnp.broadcast_to(jnp.arange(n_rows)[:, None], (n_rows, n_cols))
    return base.at[row_idx, indices].add(src)


def reference(src):
    indices = jnp.array([[1] * 5, [2] * 5], dtype=jnp.int64)
    # "CPU" computation
    base_cpu = jnp.ones((3, 5), dtype=jnp.float32)
    cpu_result = _scatter_add_dim1(base_cpu, indices, src)
    # "GPU" computation (identical math in jax; devices unified)
    base_gpu = jnp.ones((3, 5), dtype=jnp.float32)
    gpu_result = _scatter_add_dim1(base_gpu, indices, src)
    diff = jnp.abs(cpu_result - gpu_result)
    return jnp.max(diff) > 1e-06

if __name__ == "__main__":
    import jax
    _d = setup_inputs()
    print(jax.jit(kernel)(*tuple(_d.values())))

</pallas_src>

<mosaic_0001>
#map = affine_map<(d0, d1) -> (0)>
module attributes {stable_mosaic.version = 14 : i64} {
  func.func @_sc_maxdiff(%arg0: i32, %arg1: i32, %arg2: memref<10xf32, #tpu.memory_space<hbm>>, %arg3: memref<16xf32, #tpu.memory_space<hbm>>, %arg4: memref<16xf32, #tpu.memory_space<vmem>>, %arg5: memref<16xf32, #tpu.memory_space<vmem>>) attributes {dimension_semantics = [#tpu.dimension_semantics<core_parallel>, #tpu.dimension_semantics<subcore_parallel>], iteration_bounds = array<i64: 1, 1>, scalar_prefetch = 0 : i64, scratch_operands = 2 : i64, tpu.core_type = #tpu.core_type<sc_vector_subcore>, window_params = [{transform_indices = #map}, {transform_indices = #map}]} {
    %broadcast_in_dim3A = arith.constant 0.000000e+00 : f32
    %broadcast_in_dim3A_0 = vector.broadcast %broadcast_in_dim3A : f32 to vector<16xf32>
    %swap3A = arith.constant 0 : index
    %swap3A_1 = tpu.vector_load %arg4[%swap3A] {strides = array<i32>} : memref<16xf32, #tpu.memory_space<vmem>>, vector<16xf32>,
    %swap3A_2 = vector.shape_cast %swap3A_1 : vector<16xf32> to vector<16xf32>
    %swap3A_3 = vector.shape_cast %broadcast_in_dim3A_0 : vector<16xf32> to vector<16xf32>
    tpu.vector_store %arg4[%swap3A], %swap3A_3 {strides = array<i32>} : memref<16xf32, #tpu.memory_space<vmem>>, vector<16xf32>,
    "tpu.region"() ({
      %run_scoped3A = tpu.sem_alloc : memref<!tpu.dma_semaphore, #tpu.memory_space<semaphore_mem>>
      %dma_start3A = arith.constant 0 : i32
      %dma_start3A_163 = tpu.memref_slice %arg4[%dma_start3A] : memref<16xf32, #tpu.memory_space<vmem>> -> memref<10xf32, #tpu.memory_space<vmem>>
      %dma_start3A_164 = arith.constant 0 : i32
      %dma_start3A_165 = tpu.memref_slice %arg4[%dma_start3A_164] : memref<16xf32, #tpu.memory_space<vmem>> -> memref<10xf32, #tpu.memory_space<vmem>>
      tpu.enqueue_dma source(%arg2 : memref<10xf32, #tpu.memory_space<hbm>>) target(%dma_start3A_165 : memref<10xf32, #tpu.memory_space<vmem>>) target_semaphore(%run_scoped3A : memref<!tpu.dma_semaphore, #tpu.memory_space<semaphore_mem>>)
      %dma_wait3A = arith.constant 0 : i32
      %dma_wait3A_166 = tpu.memref_slice %arg4[%dma_wait3A] : memref<16xf32, #tpu.memory_space<vmem>> -> memref<10xf32, #tpu.memory_space<vmem>>
      %dma_wait3A_167 = arith.constant 0 : i32
      %dma_wait3A_168 = tpu.memref_slice %arg4[%dma_wait3A_167] : memref<16xf32, #tpu.memory_space<vmem>> -> memref<10xf32, #tpu.memory_space<vmem>>
      tpu.wait_dma2 semaphore(%run_scoped3A : memref<!tpu.dma_semaphore, #tpu.memory_space<semaphore_mem>>) src(%arg2 : memref<10xf32, #tpu.memory_space<hbm>>) dst(%dma_wait3A_168 : memref<10xf32, #tpu.memory_space<vmem>>)
      tpu.yield
    }) : () -> ()
    %get3A = arith.constant 0 : index
    %get3A_4 = tpu.vector_load %arg4[%get3A] {strides = array<i32>} : memref<16xf32, #tpu.memory_space<vmem>>, vector<16xf32>,
    %get3A_5 = vector.shape_cast %get3A_4 : vector<16xf32> to vector<16xf32>
    %iota3A = tpu.iota {dimensions = array<i32: 0>} : vector<16xi32>
    %lt3A = arith.constant 5 : i32
    %lt3A_6 = vector.broadcast %lt3A : i32 to vector<16xi32>
    %lt3A_7 = arith.cmpi slt, %iota3A, %lt3A_6 : vector<16xi32>
    %lt3A_8 = arith.constant 8 : i32
    %lt3A_9 = vector.broadcast %lt3A_8 : i32 to vector<16xi32>
    %lt3A_10 = arith.cmpi slt, %iota3A, %lt3A_9 : vector<16xi32>
    %add3A = arith.constant 5 : i32
    %add3A_11 = vector.broadcast %add3A : i32 to vector<16xi32>
    %add3A_12 = arith.addi %iota3A, %add3A_11 : vector<16xi32>
    %lt3A_13 = arith.constant 13 : i32
    %lt3A_14 = vector.broadcast %lt3A_13 : i32 to vector<16xi32>
    %lt3A_15 = arith.cmpi slt, %iota3A, %lt3A_14 : vector<16xi32>
    %sub3A = arith.constant 3 : i32
    %sub3A_16 = vector.broadcast %sub3A : i32 to vector<16xi32>
    %sub3A_17 = arith.subi %iota3A, %sub3A_16 : vector<16xi32>
    %select_n3A = arith.select %lt3A_15, %sub3A_17, %iota3A : vector<16xi1>, vector<16xi32>
    %select_n3A_18 = arith.select %lt3A_10, %add3A_12, %select_n3A : vector<16xi1>, vector<16xi32>
    %select_n3A_19 = arith.select %lt3A_7, %iota3A, %select_n3A_18 : vector<16xi1>, vector<16xi32>
    %lt3A_20 = arith.constant 0 : i32
    %lt3A_21 = vector.broadcast %lt3A_20 : i32 to vector<16xi32>
    %lt3A_22 = arith.cmpi slt, %select_n3A_19, %lt3A_21 : vector<16xi32>
    %add3A_23 = arith.constant 16 : i32
    %add3A_24 = vector.broadcast %add3A_23 : i32 to vector<16xi32>
    %add3A_25 = arith.addi %select_n3A_19, %add3A_24 : vector<16xi32>
    %select_n3A_26 = arith.select %lt3A_22, %add3A_25, %select_n3A_19 : vector<16xi1>, vector<16xi32>
    %broadcast_in_dim3A_27 = vector.shape_cast %select_n3A_26 : vector<16xi32> to vector<16x1xi32>
    %gather3A = vector.shape_cast %broadcast_in_dim3A_27 : vector<16x1xi32> to vector<16xi32>
    %gather3A_28 = tpu.dynamic_gather %get3A_5[%gather3A] in [0] : vector<16xf32>, vector<16xi32> -> vector<16xf32>
    %xor3A = arith.constant 4 : i32
    %xor3A_29 = vector.broadcast %xor3A : i32 to vector<16xi32>
    %xor3A_30 = arith.xori %iota3A, %xor3A_29 : vector<16xi32>
    %lt3A_31 = arith.constant 0 : i32
    %lt3A_32 = vector.broadcast %lt3A_31 : i32 to vector<16xi32>
    %lt3A_33 = arith.cmpi slt, %xor3A_30, %lt3A_32 : vector<16xi32>
    %add3A_34 = arith.constant 16 : i32
    %add3A_35 = vector.broadcast %add3A_34 : i32 to vector<16xi32>
    %add3A_36 = arith.addi %xor3A_30, %add3A_35 : vector<16xi32>
    %select_n3A_37 = arith.select %lt3A_33, %add3A_36, %xor3A_30 : vector<16xi1>, vector<16xi32>
    %broadcast_in_dim3A_38 = vector.shape_cast %select_n3A_37 : vector<16xi32> to vector<16x1xi32>
    %gather3A_39 = vector.shape_cast %broadcast_in_dim3A_38 : vector<16x1xi32> to vector<16xi32>
    %gather3A_40 = tpu.dynamic_gather %gather3A_28[%gather3A_39] in [0] : vector<16xf32>, vector<16xi32> -> vector<16xf32>
    %add3A_41 = arith.addf %gather3A_28, %gather3A_40 : vector<16xf32>
    %xor3A_42 = arith.constant 2 : i32
    %xor3A_43 = vector.broadcast %xor3A_42 : i32 to vector<16xi32>
    %xor3A_44 = arith.xori %iota3A, %xor3A_43 : vector<16xi32>
    %lt3A_45 = arith.constant 0 : i32
    %lt3A_46 = vector.broadcast %lt3A_45 : i32 to vector<16xi32>
    %lt3A_47 = arith.cmpi slt, %xor3A_44, %lt3A_46 : vector<16xi32>
    %add3A_48 = arith.constant 16 : i32
    %add3A_49 = vector.broadcast %add3A_48 : i32 to vector<16xi32>
    %add3A_50 = arith.addi %xor3A_44, %add3A_49 : vector<16xi32>
    %select_n3A_51 = arith.select %lt3A_47, %add3A_50, %xor3A_44 : vector<16xi1>, vector<16xi32>
    %broadcast_in_dim3A_52 = vector.shape_cast %select_n3A_51 : vector<16xi32> to vector<16x1xi32>
    %gather3A_53 = vector.shape_cast %broadcast_in_dim3A_52 : vector<16x1xi32> to vector<16xi32>
    %gather3A_54 = tpu.dynamic_gather %add3A_41[%gather3A_53] in [0] : vector<16xf32>, vector<16xi32> -> vector<16xf32>
    %add3A_55 = arith.addf %add3A_41, %gather3A_54 : vector<16xf32>
    %xor3A_56 = arith.constant 1 : i32
    %xor3A_57 = vector.broadcast %xor3A_56 : i32 to vector<16xi32>
    %xor3A_58 = arith.xori %iota3A, %xor3A_57 : vector<16xi32>
    %lt3A_59 = arith.constant 0 : i32
    %lt3A_60 = vector.broadcast %lt3A_59 : i32 to vector<16xi32>
    %lt3A_61 = arith.cmpi slt, %xor3A_58, %lt3A_60 : vector<16xi32>
    %add3A_62 = arith.constant 16 : i32
    %add3A_63 = vector.broadcast %add3A_62 : i32 to vector<16xi32>
    %add3A_64 = arith.addi %xor3A_58, %add3A_63 : vector<16xi32>
    %select_n3A_65 = arith.select %lt3A_61, %add3A_64, %xor3A_58 : vector<16xi1>, vector<16xi32>
    %broadcast_in_dim3A_66 = vector.shape_cast %select_n3A_65 : vector<16xi32> to vector<16x1xi32>
    %gather3A_67 = vector.shape_cast %broadcast_in_dim3A_66 : vector<16x1xi32> to vector<16xi32>
    %gather3A_68 = tpu.dynamic_gather %add3A_55[%gather3A_67] in [0] : vector<16xf32>, vector<16xi32> -> vector<16xf32>
    %add3A_69 = arith.addf %add3A_55, %gather3A_68 : vector<16xf32>
    %eq3A = arith.constant 7 : i32
    %eq3A_70 = vector.broadcast %eq3A : i32 to vector<16xi32>
    %eq3A_71 = arith.cmpi eq, %iota3A, %eq3A_70 : vector<16xi32>
    %jit3A = arith.constant 8 : i32
    %broadcast_in_dim3A_72 = vector.broadcast %jit3A : i32 to vector<16xi32>
    %select_n3A_73 = arith.select %eq3A_71, %broadcast_in_dim3A_72, %iota3A : vector<16xi1>, vector<16xi32>
    %lt3A_74 = arith.constant 0 : i32
    %lt3A_75 = vector.broadcast %lt3A_74 : i32 to vector<16xi32>
    %lt3A_76 = arith.cmpi slt, %select_n3A_73, %lt3A_75 : vector<16xi32>
    %add3A_77 = arith.constant 16 : i32
    %add3A_78 = vector.broadcast %add3A_77 : i32 to vector<16xi32>
    %add3A_79 = arith.addi %select_n3A_73, %add3A_78 : vector<16xi32>
    %select_n3A_80 = arith.select %lt3A_76, %add3A_79, %select_n3A_73 : vector<16xi1>, vector<16xi32>
    %broadcast_in_dim3A_81 = vector.shape_cast %select_n3A_80 : vector<16xi32> to vector<16x1xi32>
    %gather3A_82 = vector.shape_cast %broadcast_in_dim3A_81 : vector<16x1xi32> to vector<16xi32>
    %gather3A_83 = tpu.dynamic_gather %add3A_69[%gather3A_82] in [0] : vector<16xf32>, vector<16xi32> -> vector<16xf32>
    %lt3A_84 = arith.constant 15 : i32
    %lt3A_85 = vector.broadcast %lt3A_84 : i32 to vector<16xi32>
    %lt3A_86 = arith.cmpi slt, %iota3A, %lt3A_85 : vector<16xi32>
    %jit3A_87 = arith.constant 1.000000e+00 : f32
    %jit3A_88 = arith.constant 0.000000e+00 : f32
    %broadcast_in_dim3A_89 = vector.broadcast %jit3A_87 : f32 to vector<16xf32>
    %broadcast_in_dim3A_90 = vector.broadcast %jit3A_88 : f32 to vector<16xf32>
    %select_n3A_91 = arith.select %lt3A_86, %broadcast_in_dim3A_89, %broadcast_in_dim3A_90 : vector<16xi1>, vector<16xf32>
    %eq3A_92 = arith.constant 1 : i32
    %eq3A_93 = vector.broadcast %eq3A_92 : i32 to vector<16xi32>
    %eq3A_94 = arith.cmpi eq, %iota3A, %eq3A_93 : vector<16xi32>
    %eq3A_95 = arith.constant 7 : i32
    %eq3A_96 = vector.broadcast %eq3A_95 : i32 to vector<16xi32>
    %eq3A_97 = arith.cmpi eq, %iota3A, %eq3A_96 : vector<16xi32>
    %or3A = arith.ori %eq3A_94, %eq3A_97 : vector<16xi1>
    %jit3A_98 = arith.constant 0.000000e+00 : f32
    %broadcast_in_dim3A_99 = vector.broadcast %jit3A_98 : f32 to vector<16xf32>
    %select_n3A_100 = arith.select %or3A, %gather3A_83, %broadcast_in_dim3A_99 : vector<16xi1>, vector<16xf32>
    %add3A_101 = arith.addf %select_n3A_91, %select_n3A_100 : vector<16xf32>
    %add3A_102 = arith.addf %select_n3A_91, %select_n3A_100 : vector<16xf32>
    %sub3A_103 = arith.subf %add3A_101, %add3A_102 : vector<16xf32>
    %abs3A = math.absf %sub3A_103 : vector<16xf32>
    %xor3A_104 = arith.constant 8 : i32
    %xor3A_105 = vector.broadcast %xor3A_104 : i32 to vector<16xi32>
    %xor3A_106 = arith.xori %iota3A, %xor3A_105 : vector<16xi32>
    %lt3A_107 = arith.constant 0 : i32
    %lt3A_108 = vector.broadcast %lt3A_107 : i32 to vector<16xi32>
    %lt3A_109 = arith.cmpi slt, %xor3A_106, %lt3A_108 : vector<16xi32>
    %add3A_110 = arith.constant 16 : i32
    %add3A_111 = vector.broadcast %add3A_110 : i32 to vector<16xi32>
    %add3A_112 = arith.addi %xor3A_106, %add3A_111 : vector<16xi32>
    %select_n3A_113 = arith.select %lt3A_109, %add3A_112, %xor3A_106 : vector<16xi1>, vector<16xi32>
    %broadcast_in_dim3A_114 = vector.shape_cast %select_n3A_113 : vector<16xi32> to vector<16x1xi32>
    %gather3A_115 = vector.shape_cast %broadcast_in_dim3A_114 : vector<16x1xi32> to vector<16xi32>
    %gather3A_116 = tpu.dynamic_gather %abs3A[%gather3A_115] in [0] : vector<16xf32>, vector<16xi32> -> vector<16xf32>
    %max3A = arith.maximumf %abs3A, %gather3A_116 : vector<16xf32>
    %xor3A_117 = arith.constant 4 : i32
    %xor3A_118 = vector.broadcast %xor3A_117 : i32 to vector<16xi32>
    %xor3A_119 = arith.xori %iota3A, %xor3A_118 : vector<16xi32>
    %lt3A_120 = arith.constant 0 : i32
    %lt3A_121 = vector.broadcast %lt3A_120 : i32 to vector<16xi32>
    %lt3A_122 = arith.cmpi slt, %xor3A_119, %lt3A_121 : vector<16xi32>
    %add3A_123 = arith.constant 16 : i32
    %add3A_124 = vector.broadcast %add3A_123 : i32 to vector<16xi32>
    %add3A_125 = arith.addi %xor3A_119, %add3A_124 : vector<16xi32>
    %select_n3A_126 = arith.select %lt3A_122, %add3A_125, %xor3A_119 : vector<16xi1>, vector<16xi32>
    %broadcast_in_dim3A_127 = vector.shape_cast %select_n3A_126 : vector<16xi32> to vector<16x1xi32>
    %gather3A_128 = vector.shape_cast %broadcast_in_dim3A_127 : vector<16x1xi32> to vector<16xi32>
    %gather3A_129 = tpu.dynamic_gather %max3A[%gather3A_128] in [0] : vector<16xf32>, vector<16xi32> -> vector<16xf32>
    %max3A_130 = arith.maximumf %max3A, %gather3A_129 : vector<16xf32>
    %xor3A_131 = arith.constant 2 : i32
    %xor3A_132 = vector.broadcast %xor3A_131 : i32 to vector<16xi32>
    %xor3A_133 = arith.xori %iota3A, %xor3A_132 : vector<16xi32>
    %lt3A_134 = arith.constant 0 : i32
    %lt3A_135 = vector.broadcast %lt3A_134 : i32 to vector<16xi32>
    %lt3A_136 = arith.cmpi slt, %xor3A_133, %lt3A_135 : vector<16xi32>
    %add3A_137 = arith.constant 16 : i32
    %add3A_138 = vector.broadcast %add3A_137 : i32 to vector<16xi32>
    %add3A_139 = arith.addi %xor3A_133, %add3A_138 : vector<16xi32>
    %select_n3A_140 = arith.select %lt3A_136, %add3A_139, %xor3A_133 : vector<16xi1>, vector<16xi32>
    %broadcast_in_dim3A_141 = vector.shape_cast %select_n3A_140 : vector<16xi32> to vector<16x1xi32>
    %gather3A_142 = vector.shape_cast %broadcast_in_dim3A_141 : vector<16x1xi32> to vector<16xi32>
    %gather3A_143 = tpu.dynamic_gather %max3A_130[%gather3A_142] in [0] : vector<16xf32>, vector<16xi32> -> vector<16xf32>
    %max3A_144 = arith.maximumf %max3A_130, %gather3A_143 : vector<16xf32>
    %xor3A_145 = arith.constant 1 : i32
    %xor3A_146 = vector.broadcast %xor3A_145 : i32 to vector<16xi32>
    %xor3A_147 = arith.xori %iota3A, %xor3A_146 : vector<16xi32>
    %lt3A_148 = arith.constant 0 : i32
    %lt3A_149 = vector.broadcast %lt3A_148 : i32 to vector<16xi32>
    %lt3A_150 = arith.cmpi slt, %xor3A_147, %lt3A_149 : vector<16xi32>
    %add3A_151 = arith.constant 16 : i32
    %add3A_152 = vector.broadcast %add3A_151 : i32 to vector<16xi32>
    %add3A_153 = arith.addi %xor3A_147, %add3A_152 : vector<16xi32>
    %select_n3A_154 = arith.select %lt3A_150, %add3A_153, %xor3A_147 : vector<16xi1>, vector<16xi32>
    %broadcast_in_dim3A_155 = vector.shape_cast %select_n3A_154 : vector<16xi32> to vector<16x1xi32>
    %gather3A_156 = vector.shape_cast %broadcast_in_dim3A_155 : vector<16x1xi32> to vector<16xi32>
    %gather3A_157 = tpu.dynamic_gather %max3A_144[%gather3A_156] in [0] : vector<16xf32>, vector<16xi32> -> vector<16xf32>
    %max3A_158 = arith.maximumf %max3A_144, %gather3A_157 : vector<16xf32>
    %swap3A_159 = arith.constant 0 : index
    %swap3A_160 = tpu.vector_load %arg5[%swap3A_159] {strides = array<i32>} : memref<16xf32, #tpu.memory_space<vmem>>, vector<16xf32>,
    %swap3A_161 = vector.shape_cast %swap3A_160 : vector<16xf32> to vector<16xf32>
    %swap3A_162 = vector.shape_cast %max3A_158 : vector<16xf32> to vector<16xf32>
    tpu.vector_store %arg5[%swap3A_159], %swap3A_162 {strides = array<i32>} : memref<16xf32, #tpu.memory_space<vmem>>, vector<16xf32>,
    "tpu.region"() ({
      %run_scoped3A = tpu.sem_alloc : memref<!tpu.dma_semaphore, #tpu.memory_space<semaphore_mem>>
      tpu.enqueue_dma source(%arg5 : memref<16xf32, #tpu.memory_space<vmem>>) target(%arg3 : memref<16xf32, #tpu.memory_space<hbm>>) target_semaphore(%run_scoped3A : memref<!tpu.dma_semaphore, #tpu.memory_space<semaphore_mem>>)
      tpu.wait_dma2 semaphore(%run_scoped3A : memref<!tpu.dma_semaphore, #tpu.memory_space<semaphore_mem>>) src(%arg5 : memref<16xf32, #tpu.memory_space<vmem>>) dst(%arg3 : memref<16xf32, #tpu.memory_space<hbm>>)
      tpu.yield
    }) : () -> ()
    return
  }
}

</mosaic_0001>

<sc_bundles>
// kernel: kernel.3.cloned.1.call-start
scs
__scs_entry_jumppad:
0x0: {  	(pc) =	sbr.rel $0x88, $3  }
0x1: {  	(tag) =	ssettag $0x0;
	lr =	simm.s32 $0x1  }
0x2: {  	[smem:$0x3FA0] =	sst lr;
	_ =	strace $0xD0000000  }
0x3: {  	_ = 	snop  }
0x4: {  	_ = 	snop  }
0x5: {  	_ = 	snop  }
0x6: {  	_ = 	snop  }
0x7: {  	_ = 	snop  }
__scs_overlays_trampoline_lowered:
0x8: {  	[smem:$0x3FAF] =	sst s0  }
0x9: {  	[smem:$0x3FB0] =	sst s1  }
0xa: {  	[smem:$0x3FB1] =	sst s2  }
0xb: {  	[smem:$0x3FB2] =	sst s3  }
0xc: {  	[smem:$0x3FB3] =	sst s4  }
0xd: {  	[smem:$0x3FB4] =	sst s5  }
0xe: {  	[smem:$0x3FB5] =	sst s6  }
0xf: {  	[smem:$0x3FB6] =	sst s7  }
0x10: {  	[smem:$0x3FB7] =	sst s8  }
0x11: {  	[smem:$0x3FB8] =	sst s9;
	s0 =	simm.s32 @!p0 $0x0  }
0x12: {  	s1 =	sld [smem:$0x3F9E];
	s0 =	simm.s32 @p0 $0x1  }
0x13: {  	[smem:$0x3FB9] =	sst s0;
	s0 =	simm.s32 @!p1 $0x0  }
0x14: {  	s2 =	sld [smem:$0x3F9D];
	s0 =	simm.s32 @p1 $0x1  }
0x15: {  	[smem:$0x3FBA] =	sst s0;
	s0 =	simm.s32 @!p2 $0x0  }
0x16: {  	s3 =	sld [smem:$0x3FDB];
	s0 =	simm.s32 @p2 $0x1  }
0x17: {  	s4 =	simm.s32 $0x1BF5;
	[smem:$0x3FBC] =	sst s0  }
0x18: {  	s0 =	sld [smem:$0x3F9F];
	_ =	swait.ge [sflag:s4], $0x0  }
0x19: {  	s7 =	sld [smem:$0x3FA0]  }
0x1a: {  	s8 =	sadd.s32 $0xFFFFE003, lr  }
0x1b: {  	s9 =	sadd.s32 $0xFFFFFEF7, lr;
	s5 =	simm.s32 $0xFFFFFFFF;
	p2 =	slt.u32 s8, $0xFFFFF086  }
0x1c: {  	p1 =	slt.u32 s9, $0xF7A;
	s5 =	simm.s32 @!p2 $0x0  }
0x1d: {  	s5 =	simm.s32 @p1 $0x1;
	p0 =	seq.s32 s7, s2  }
0x1e: {  	s7 =	smul.u32 @!p0 $0xF7A, s2;
	p2 =	seq.s32 @!p0 s5, $0x0  }
0x1f: {  	s9 =	smul.u32 $0xF7A, s1;
	s8 =	simm.s32 @!p0 $0x1BF5;
	p2 =	por !p2, p0  }
0x20: {  	[sflag:s8] =	ssyncset.s32 @!p0 $0xFFFFF086;
	s6 =	sadd.s32 @!p0 s3, s7;
	s7 =	simm.s32 @!p0 $0x108  }
0x21: {  	s3 =	sadd.s32 s3, s9;
	s6 =	sadd.s32 @!p0 $0x88, s6;
	s7 =	simm.s32 @p2 $0x1082  }
0x22: {  	[simem:s7], [sflag:s8] =	dma.local @!p0 [hbm:s6], $0xF7A  }
0x23: {  	s9 =	sor.u32 $0xD0000000, s2;
	s6 =	simm.s32 $0x108;
	_ =	swait.ge @!p0 [sflag:s8], $0x0  }
0x24: {  	s3 =	sadd.s32 $0x88, s3;
	s6 =	simm.s32 @!p1 $0x1082;
	[sflag:s4] =	ssyncset.s32 $0xFFFFF086  }
0x25: {  	[simem:s6], [sflag:s4] =	dma.local [hbm:s3], $0xF7A  }
0x26: {  	[smem:$0x3FA0] =	sst s1;
	(tag) =	ssettag s2;
	_ =	strace s9  }
0x27: {  	s1 =	sld [smem:$0x3FB0]  }
0x28: {  	s2 =	sld [smem:$0x3FB1]  }
0x29: {  	s4 =	sld [smem:$0x3FB3]  }
0x2a: {  	p0 =	seq.s32 s5, $0x0;
	s5 =	sld [smem:$0x3FB4]  }
0x2b: {  	s6 =	sld [smem:$0x3FB5]  }
0x2c: {  	s7 =	sld [smem:$0x3FB6]  }
0x2d: {  	s3 =	simm.s32 $0x108;
	s8 =	sld [smem:$0x3FB7]  }
0x2e: {  	s3 =	simm.s32 @!p0 $0x1082;
	s9 =	sld [smem:$0x3FB8]  }
0x2f: {  	lr =	sadd.s32 s0, s3;
	s0 =	sld [smem:$0x3FAF]  }
0x30: {  	s3 =	sld [smem:$0x3FB2]  }
0x31: {  	[smem:$0x3FBB] =	sst s10  }
0x32: {  	s10 =	sld [smem:$0x3FB9];
	_ =	sdelay $0x3  }
0x33: {  	p0 =	seq.s32 s10, $0x1;
	s10 =	sld [smem:$0x3FBB];
	_ =	sdelay $0x3  }
0x34: {  	[smem:$0x3FBB] =	sst s10  }
0x35: {  	s10 =	sld [smem:$0x3FBA];
	_ =	sdelay $0x3  }
0x36: {  	p1 =	seq.s32 s10, $0x1;
	s10 =	sld [smem:$0x3FBB];
	_ =	sdelay $0x3  }
0x37: {  	[smem:$0x3FBB] =	sst s10  }
0x38: {  	s10 =	sld [smem:$0x3FBC]  }
0x39: {  	_ = 	snop;
	(pc) =	sbr.ind lr, $3  }
0x3a: {  	_ = 	snop  }
0x3b: {  	_ = 	snop  }
0x3c: {  	p2 =	seq.s32 s10, $0x1;
	s10 =	sld [smem:$0x3FBB]  }
0x3d: {  	_ =	shalt  }
0x3e: {  	_ =	shalt  }
0x3f: {  	_ =	shalt  }
0x40: {  	_ =	shalt  }
0x41: {  	_ =	shalt  }
0x42: {  	_ =	shalt  }
0x43: {  	_ =	shalt  }
0x44: {  	_ =	shalt  }
0x45: {  	_ =	shalt  }
0x46: {  	_ =	shalt  }
0x47: {  	_ =	shalt  }
0x48: {  	_ =	shalt  }
0x49: {  	_ =	shalt  }
0x4a: {  	_ =	shalt  }
0x4b: {  	_ =	shalt  }
0x4c: {  	_ =	shalt  }
0x4d: {  	_ =	shalt  }
0x4e: {  	_ =	shalt  }
0x4f: {  	_ =	shalt  }
0x50: {  	_ =	shalt  }
0x51: {  	_ =	shalt  }
0x52: {  	_ =	shalt  }
0x53: {  	_ =	shalt  }
0x54: {  	_ =	shalt  }
0x55: {  	_ =	shalt  }
0x56: {  	_ =	shalt  }
0x57: {  	_ =	shalt  }
0x58: {  	_ =	shalt  }
0x59: {  	_ =	shalt  }
0x5a: {  	_ =	shalt  }
0x5b: {  	_ =	shalt  }
0x5c: {  	_ =	shalt  }
0x5d: {  	_ =	shalt  }
0x5e: {  	_ =	shalt  }
0x5f: {  	_ =	shalt  }
0x60: {  	_ =	shalt  }
0x61: {  	_ =	shalt  }
0x62: {  	_ =	shalt  }
0x63: {  	_ =	shalt  }
0x64: {  	_ =	shalt  }
0x65: {  	_ =	shalt  }
0x66: {  	_ =	shalt  }
0x67: {  	_ =	shalt  }
0x68: {  	_ =	shalt  }
0x69: {  	_ =	shalt  }
0x6a: {  	_ =	shalt  }
0x6b: {  	_ =	shalt  }
0x6c: {  	_ =	shalt  }
0x6d: {  	_ =	shalt  }
0x6e: {  	_ =	shalt  }
0x6f: {  	_ =	shalt  }
0x70: {  	_ =	shalt  }
0x71: {  	_ =	shalt  }
0x72: {  	_ =	shalt  }
0x73: {  	_ =	shalt  }
0x74: {  	_ =	shalt  }
0x75: {  	_ =	shalt  }
0x76: {  	_ =	shalt  }
0x77: {  	_ =	shalt  }
0x78: {  	_ =	shalt  }
0x79: {  	_ =	shalt  }
0x7a: {  	_ =	shalt  }
0x7b: {  	_ =	shalt  }
0x7c: {  	_ =	shalt  }
0x7d: {  	_ =	shalt  }
0x7e: {  	_ =	shalt  }
0x7f: {  	_ =	shalt  }
0x80: {  	_ =	shalt  }
0x81: {  	_ =	shalt  }
0x82: {  	_ =	shalt  }
0x83: {  	_ =	shalt  }
0x84: {  	_ =	shalt  }
0x85: {  	_ =	shalt  }
0x86: {  	_ =	shalt  }
0x87: {  	_ =	shalt  }
.Lfunc_end0:
.L_simem_size_0:
called_computation_lowered:
.L_overlay_start_0:
0x88: {  	s0 =	sld [smem:$0x3FD9]  }
0x89: {  	s1 =	sld [smem:$0x3FFE];
	_ =	sdelay $0x3  }
0x8a: {  	s0 =	sadd.s32 s1, s0  }
0x8b: {  	[smem:$0x3FC7] =	sst s0  }
0x8c: {  	_ = 	snop  }
0x8d: {  	s0 =	sld [smem:$0x3FD0];
	(tm) =	ssettm $0x1  }
0x8e: {  	s16 =	sld [smem:$0x3FFB];
	_ =	sdelay $0x3  }
0x8f: {  	_ =	strace s16  }
0x90: {  	s1 =	sld [smem:$0x3FFC];
	_ =	sdelay $0x3  }
0x91: {  	_ =	strace s1  }
0x92: {  	s1 =	sld [smem:$0x3FFD];
	_ =	sdelay $0x3  }
0x93: {  	_ =	strace s1  }
0x94: {  	_ =	strace $0x8FFFFFFF  }
0x95: {  	s17 =	sld [smem:$0x3FDB];
	_ =	sdelay $0x1  }
0x96: {  	s2 =	simm.s32 $_scs_section_size  }
0x97: {  	s3 =	simm.s32 $_size__tile_overlayer_lowered;
	s4 =	simm.s32 $_tile_overlayer_lowered  }
0x98: {  	s20 =	simm.s32 $0x1BFF;
	s19 =	sshll.u32 s4, $0x1;
	s1 =	sadd.s32 s2, s17  }
0x99: {  	s5 =	simm.s32 $0x0;
	s18 =	sshll.u32 s3, $0x1;
	s3 =	sadd.s32 s19, s1  }
0x9a: {  	[timem:s5], [sflag:s20] =	dma.local [hbm:s3], s18  }
0x9b: {  	_ =	swait.ge [sflag:s20], s18  }
0x9c: {  	s2 =	ssub.s32 $0x0, s18;
	[sflag:s20] =	ssyncset.done $0x0  }
0x9d: {  	[sflag:s20] =	ssyncadd.s32 s2;
	_ =	sdelay $0x1  }
0x9e: {  	s21 =	simm.s32 $0x1B8B  }
0x9f: {  	_ =	swait.ge [sflag:s21], $0x1  }
0xa0: {  	[sflag:s21] =	ssyncset.done $0x0  }
0xa1: {  	s23 =	simm.s32 $0x1B8E;
	s22 =	sld [smem:$0x3FFE];
	[sflag:s21] =	ssyncadd.s32 $0xFFFFFFFF  }
0xa2: {  	s24 =	simm.s32 $execute0_lowered;
	[smem:$0x3FD2] =	sst s23  }
0xa3: {  	s3 =	sshll.u32 s24, $0x1;
	_ =	strace $0x80000046;
	[dreg:$0x1] =	wrdreg $0xFFFFFFFF  }
0xa4: {  	s25 =	simm.s32 $_size_execute0_lowered;
	s1 =	sadd.s32 s1, s3;
	[dreg:$0x0] =	wrdreg $0x0  }
0xa5: {  	s3 =	sshll.u32 s25, $0x1;
	[dreg:$0x2] =	wrdreg s1  }
0xa6: {  	[dreg:$0x3] =	wrdreg s3  }
0xa7: {  	[dreg:$0x4] =	wrdreg $0xC0  }
0xa8: {  	_ =	task [dreg:s5], $0x5FFFF  }
0xa9: {  	[dreg:$0x1] =	wrdreg $0xFFFFFFFF  }
0xaa: {  	[dreg:$0x0] =	wrdreg $0x60  }
0xab: {  	[dreg:$0x2] =	wrdreg s0  }
0xac: {  	[dreg:$0x3] =	wrdreg s22  }
0xad: {  	[dreg:$0x4] =	wrdreg $0x9  }
0xae: {  	_ =	task.clear_ibuf [dreg:s5], $0x5FFFF;
	_ =	strace $0x90000046  }
0xaf: {  	s26 =	simm.s32 $0x9;
	_ =	strace $0x80000048  }
0xb0: {  	_ =	swait.ge [sflag:s26], $0x1  }
0xb1: {  	[sflag:s26] =	ssyncadd.s32 $0xFFFFFFFF  }
0xb2: {  	_ =	strace $0x90000048  }
0xb3: {  	_ =	sfence  }
0xb4: {  	s28 =	sld [smem:$0x0];
	_ =	sdelay $0x1  }
0xb5: {  	s29 =	srdreg.scid  }
0xb6: {  	s30 =	sshll.u32 s29, $0xD;
	s31 =	sshrl.u32 s29, $0x2  }
0xb7: {  	s2 =	sand.u32 $0x4000, s30;
	s1 =	sand.u32 $0x1, s29;
	s0 =	sadd.s32 s31, s28  }
0xb8: {  	s1 =	sor.u32 s2, s1;
	s0 =	sshll.u32 s0, $0x11  }
0xb9: {  	s0 =	sor.u32 s0, s1  }
0xba: {  	s0 =	sadd.s32 $0x8F2B, s0  }
0xbb: {  	[sflag:s0] =	ssyncadd.remote.s32 $0x1  }
0xbc: {  	_ =	sfence.sel $0xFFFF  }
0xbd: {  	[dreg:$0x0] =	wrdreg $0xFFFFFFFF;
	(pc) =	sbr.abs _section_cstart, $3  }
0xbe: {  	[dreg:$0x1] =	wrdreg $0xFFFFFFFF  }
0xbf: {  	_ =	task.clear_ibuf [dreg:s5], $0x2FFFF;
	_ =	strace $0x9FFFFFFF  }
0xc0: {  	(tm) =	ssettm $0x7FFFFFFF  }
0xc1: {  	_ =	shalt  }
tec
execute0_lowered:
.L_overlay_start_1:
0x0: {  	(tag) =	ssettag $0x1  }
0x1: {  	s3 =	stileid.u32  }
0x2: {  	p0 =	sne.s32 s3, $0x0  }
.Ltmp0:
0x3: {  	_ = 	snop;
	(pc) =	sbr.rel @p0 .LBB2_2-.Ltmp0, $4  }
0x4: {  	_ = 	snop  }
0x5: {  	s2 =	rddreg [dreg:$0x0]  }
0x6: {  	s1 =	rddreg [dreg:$0x1]  }
0x7: {  	s0 =	rddreg [dreg:$0x2];
	_ =	strace $0x80000047  }
0x8: {  	v0 =	vimm.f32 $0.0e+00  }
0x9: {  	s3 =	simm.s32 $0x0;
	s31 =	simm.s32 $0x1;
	[tilespmem:$0x0] =	vst v0  }
0xa: {  	[tilespmem:s3], [sflag:$0x1] =	stream.linear.gather [hbm4b:s2+s3], $0xA, $0x38;
	[tilespmem:$0x100] =	vst v63  }
0xb: {  	_ =	swait.ge [sflag:s31], $0xA  }
0xc: {  	v1 =	vimm.s32 $0xFED98765;
	v2 =	vimm.s32 $0xCBA43210;
	v3 =	vimm.s32 $0xBA98FEDC;
	[sflag:s31] =	ssyncset.done $0x0  }
0xd: {  	v4 =	vimm.s32 $0x32107654;
	v1 =	vunpack.c.l.s4.s8 v1;
	v2 =	vunpack.c.l.s4.s8 v2;
	[sflag:s31] =	ssyncadd.s32 $0xFFFFFFF6  }
0xe: {  	v3 =	vunpack.c.l.s4.s8 v3;
	v4 =	vunpack.c.l.s4.s8 v4;
	v5 =	vld [tilespmem:$0x0]  }
0xf: {  	v1 =	vunpack.c.0.s8.s32 v1;
	v2 =	vunpack.c.0.s8.s32 v2  }
0x10: {  	v3 =	vunpack.c.0.s8.s32 v3;
	v4 =	vunpack.c.0.s8.s32 v4  }
0x11: {  	v50 =	vimm.s32 $0xDCFE98BA;
	v6 =	vimm.s32 $0x54761032;
	v1 =	vcombine.low v2, v1  }
0x12: {  	v51 =	vunpack.c.l.s4.s8 v6;
	v3 =	vcombine.low v4, v3;
	v2 =	vunpack.c.l.s4.s8 v50  }
0x13: {  	v1 =	vperm.xlane v5, v1  }
0x14: {  	v4 =	vunpack.c.0.s8.s32 v51;
	v3 =	vand.u32 $0xF, v3;
	v2 =	vunpack.c.0.s8.s32 v2  }
0x15: {  	v52 =	vimm.s32 $0xEFCDAB89;
	v7 =	vimm.s32 $0x67452301;
	v5 =	vperm.xlane v1, v3  }
0x16: {  	v53 =	vunpack.c.l.s4.s8 v52;
	v54 =	vunpack.c.l.s4.s8 v7;
	v2 =	vcombine.low v4, v2  }
0x17: {  	v1 =	vadd.f32 v5, v1  }
0x18: {  	v55 =	vunpack.c.0.s8.s32 v54;
	v4 =	vunpack.c.0.s8.s32 v53;
	v2 =	vand.u32 $0xF, v2  }
0x19: {  	v56 =	vperm.xlane v1, v2  }
0x1a: {  	v57 =	vimm.s32 $0x86543210;
	v58 =	vimm.s32 $0xFEDCBA98;
	v4 =	vcombine.low v55, v4  }
0x1b: {  	v59 =	vunpack.c.l.s4.s8 v58;
	v5 =	vunpack.c.l.s4.s8 v57;
	v1 =	vadd.f32 v56, v1  }
0x1c: {  	v4 =	vand.u32 $0xF, v4  }
0x1d: {  	v6 =	vunpack.c.0.s8.s32 v59;
	v5 =	vunpack.c.0.s8.s32 v5;
	v60 =	vperm.xlane v1, v4;
	_ =	sdelay $0x1  }
0x1e: {  	v5 =	vcombine.low v5, v6;
	v1 =	vadd.f32 v60, v1;
	_ =	sdelay $0x1  }
0x1f: {  	vm0 =	vcmask $0x1B08;
	vm1 =	vcmask $0x320;
	v1 =	vperm.xlane v1, v5  }
0x20: {  	vm15 =	vcmask $0x3B00;
	v61 =	vimm.s32 $0x76543210;
	vm0 =	vmor vm1, vm0  }
0x21: {  	v0 =	vsel vm15, $0x3F800000, v0;
	v5 =	vunpack.c.l.s4.s8 v61;
	v1 =	vsel vm0, $0x0, v1  }
0x22: {  	v0 =	vadd.f32 v0, v1  }
0x23: {  	v62 =	vunpack.c.0.s8.s32 v5  }
0x24: {  	v63 =	vand.u32 $0xF, v6;
	v0 =	vsub.f32 v0, v0  }
0x25: {  	v1 =	vcombine.low v63, v62  }
0x26: {  	v0 =	vand.u32 $0x7FFFFFFF, v0  }
0x27: {  	v1 =	vperm.xlane v0, v1;
	_ =	sdelay $0x1  }
0x28: {  	v0 =	vmax.f32 v0, v1  }
0x29: {  	v1 =	vperm.xlane v0, v3;
	_ =	sdelay $0x1  }
0x2a: {  	v0 =	vmax.f32 v0, v1  }
0x2b: {  	v1 =	vperm.xlane v0, v2;
	_ =	sdelay $0x1  }
0x2c: {  	v0 =	vmax.f32 v0, v1  }
0x2d: {  	v1 =	vperm.xlane v0, v4;
	_ =	sdelay $0x1  }
0x2e: {  	v0 =	vmax.f32 v0, v1  }
0x2f: {  	s1 =	sadd.s32 $0x800, s1;
	s4 =	simm.s32 $0x80;
	[tilespmem:$0x80] =	vst v0  }
0x30: {  	[hbm4b:s1+s3] =	stream.linear.scatter [tilespmem:s4], [sflag:$0x1], $0x80, $0x38;
	[tilespmem:$0x100] =	vst v63  }
0x31: {  	_ =	swait.ge [sflag:s31], $0x80  }
0x32: {  	[sflag:s31] =	ssyncset.done $0x0  }
0x33: {  	[sflag:s31] =	ssyncadd.s32 $0xFFFFFF80  }
.LBB2_2:
0x34: {  	_ =	sfence.sel $0x180000  }
0x35: {  	[bflag:$0x0] =	sbarrier.arrive $0xFFFF  }
0x36: {  	_ =	strace $0x90000047  }
0x37: {  	s0 =	sadd.s32 @!p0 $0x100000, s0;
	[bflag:$0x2] =	sbarrier.arrive $0xFFFF  }
0x38: {  	[sflag:s0] =	ssyncadd.tile.s32 @!p0 $0x1;
	_ =	shalt  }
.Lfunc_end2:
_tile_overlayer_lowered:
.L_overlay_start_2:
0x39: {  	(tag) =	ssettag $0x2  }
0x3a: {  	s0 =	rddreg [dreg:$0x0];
	s2 =	stileid.u32  }
0x3b: {  	s1 =	rddreg [dreg:$0x1];
	p0 =	sne.s32 s2, $0x0  }
0x3c: {  	s3 =	rddreg [dreg:$0x2];
	[bflag:$0x3] =	sbarrier.arrive $0xFFFF;
	s2 =	simm.s32 @!p0 $0x1C01  }
0x3d: {  	[timem:s3], [sflag:s2] =	dma.local @!p0 [hbm:s0], s1  }
0x3e: {  	s0 =	simm.s32 @!p0 $0x1  }
0x3f: {  	_ =	swait.ge @!p0 [sflag:s0], s1  }
0x40: {  	s1 =	ssub.s32 @!p0 $0x0, s1;
	[sflag:s0] =	ssyncset.done @!p0 $0x0  }
0x41: {  	[sflag:s0] =	ssyncadd.s32 @!p0 s1  }
0x42: {  	[bflag:$0x3] =	sbarrier.arrive $0xFFFF  }
0x43: {  	_ =	shalt  }

</sc_bundles>
